<compile_context>
chip_gen: v7x
topology: tpu7x:2x2x1
jax: 0.10.2.dev20260603
libtpu: 0.0.44.dev20260713+nightly
codegen_flags: <defaults>
</compile_context>

<pallas_src>
import functools
import math

import jax
import jax.numpy as jnp
from jax import lax
from jax.experimental import pallas as pl
from jax.experimental.pallas import tpu as pltpu
from jax.experimental.pallas import tpu_sc as plsc

_SCALE = math.sqrt(128.0)
_CHUNK = 128
_NPAIR = 2


def _make_gather(vocab, dim, n_idx):
    info = plsc.get_sparse_core_info()
    nc, ns = info.num_cores, info.num_subcores
    nw = nc * ns
    assert n_idx % (nw * _CHUNK) == 0
    per_w = n_idx // nw
    n_chunks = per_w // _CHUNK
    assert n_chunks % (2 * _NPAIR) == 0
    n_groups = n_chunks // (2 * _NPAIR)

    mesh = plsc.VectorSubcoreMesh(core_axis_name="c", subcore_axis_name="s")

    @functools.partial(
        pl.kernel,
        mesh=mesh,
        out_type=jax.ShapeDtypeStruct((n_idx, dim), jnp.float32),
        scratch_types=[
            pltpu.VMEM((n_chunks, _CHUNK), jnp.int32),
            *([pltpu.VMEM((2 * _CHUNK, dim), jnp.float32)] * _NPAIR),
            *([pltpu.SemaphoreType.DMA] * (3 * _NPAIR)),
        ],
    )
    def gather_k(table_hbm, idx_hbm, out_hbm, idx_v, *bufs_and_sems):
        rows = bufs_and_sems[:_NPAIR]
        gsem = bufs_and_sems[_NPAIR : 3 * _NPAIR]
        osem = bufs_and_sems[3 * _NPAIR :]
        wid = lax.axis_index("s") * nc + lax.axis_index("c")
        base = wid * per_w
        pltpu.sync_copy(idx_hbm.at[pl.ds(wid * n_chunks, n_chunks)], idx_v)

        def body(g, carry):
            first = g * 2 * _NPAIR
            for p in range(_NPAIR):
                @pl.when(g > 0)
                def _():
                    pltpu.make_async_copy(
                        rows[p], out_hbm.at[pl.ds(0, 2 * _CHUNK)], osem[p]
                    ).wait()
                for h in range(2):
                    pltpu.async_copy(
                        table_hbm.at[idx_v.at[first + 2 * p + h]],
                        rows[p].at[pl.ds(h * _CHUNK, _CHUNK)],
                        gsem[2 * p + h],
                    )
            for p in range(_NPAIR):
                for h in range(2):
                    pltpu.make_async_copy(
                        table_hbm.at[idx_v.at[first + 2 * p + h]],
                        rows[p].at[pl.ds(h * _CHUNK, _CHUNK)],
                        gsem[2 * p + h],
                    ).wait()

                def sbody(r, c, buf=rows[p]):
                    for j in range(dim // 16):
                        buf[r, pl.ds(j * 16, 16)] = (
                            buf[r, pl.ds(j * 16, 16)] * _SCALE
                        )
                    return c

                lax.fori_loop(0, 2 * _CHUNK, sbody, 0)
                off = base + (first + 2 * p) * _CHUNK
                pltpu.async_copy(
                    rows[p], out_hbm.at[pl.ds(off, 2 * _CHUNK)], osem[p]
                )
            return carry

        lax.fori_loop(0, n_groups, body, 0)
        for p in range(_NPAIR):
            pltpu.make_async_copy(
                rows[p], out_hbm.at[pl.ds(0, 2 * _CHUNK)], osem[p]
            ).wait()

    return gather_k


def kernel(x, table):
    vocab, dim = table.shape
    x_flat = x.reshape(-1).astype(jnp.int32)
    n_idx = x_flat.shape[0]
    idx2d = x_flat.reshape(-1, _CHUNK)
    out = _make_gather(vocab, dim, n_idx)(table, idx2d)
    return out.reshape(x.shape + (dim,))

# --- scband reference (transcript-rebuilt; emitter-appended) ---
"""Pipeline reference for scband-token-embedding-13134009991303 (READ-ONLY COPY).

The authoritative reference and input builder live on the scoring server;
editing this copy changes nothing except your own understanding.
"""

import jax, jax.numpy as jnp
import numpy as np
import math

VOCAB = 100000
EMBED_DIM = 128
PADDING_IDX = 0

def setup_inputs(seed: int = 0) -> dict:
    key = jax.random.key(seed)
    k1, k2 = jax.random.split(key)
    x = jax.random.randint(k1, (4096, 200), 0, VOCAB, dtype=jnp.int64 if jax.config.jax_enable_x64 else jnp.int32)
    table = jax.random.normal(k2, (VOCAB, EMBED_DIM), dtype=jnp.float32)
    # padding_idx row is zero-initialized in torch nn.Embedding
    table = table.at[PADDING_IDX].set(0.0)
    return {"x": x, "table": table}

def reference(x, table):
    # enforce padding_idx row = 0 (faithful to nn.Embedding padding semantics)
    tbl = table.at[PADDING_IDX].set(0.0)
    out = jnp.take(tbl, x, axis=0)
    return out * math.sqrt(EMBED_DIM)

if __name__ == "__main__":
    import jax
    _d = setup_inputs()
    print(jax.jit(kernel)(*tuple(_d.values())))

</pallas_src>

<mosaic_0001>
#map = affine_map<(d0, d1) -> (0, 0)>
module attributes {stable_mosaic.version = 14 : i64} {
  func.func @gather_k(%arg0: i32, %arg1: i32, %arg2: memref<100000x128xf32, #tpu.memory_space<hbm>>, %arg3: memref<6400x128xi32, #tpu.memory_space<hbm>>, %arg4: memref<819200x128xf32, #tpu.memory_space<hbm>>, %arg5: memref<200x128xi32, #tpu.memory_space<vmem>>, %arg6: memref<256x128xf32, #tpu.memory_space<vmem>>, %arg7: memref<256x128xf32, #tpu.memory_space<vmem>>, %arg8: memref<!tpu.dma_semaphore, #tpu.memory_space<semaphore_mem>>, %arg9: memref<!tpu.dma_semaphore, #tpu.memory_space<semaphore_mem>>, %arg10: memref<!tpu.dma_semaphore, #tpu.memory_space<semaphore_mem>>, %arg11: memref<!tpu.dma_semaphore, #tpu.memory_space<semaphore_mem>>, %arg12: memref<!tpu.dma_semaphore, #tpu.memory_space<semaphore_mem>>, %arg13: memref<!tpu.dma_semaphore, #tpu.memory_space<semaphore_mem>>) attributes {dimension_semantics = [#tpu.dimension_semantics<core_parallel>, #tpu.dimension_semantics<subcore_parallel>], iteration_bounds = array<i64: 2, 16>, scalar_prefetch = 0 : i64, scratch_operands = 9 : i64, tpu.core_type = #tpu.core_type<sc_vector_subcore>, window_params = [{transform_indices = #map}, {transform_indices = #map}, {transform_indices = #map}]} {
    %mul3A = arith.constant 2 : i32
    %mul3A_0 = arith.muli %arg1, %mul3A : i32
    %add3A = arith.addi %mul3A_0, %arg0 : i32
    %mul3A_1 = arith.constant 25600 : i32
    %mul3A_2 = arith.muli %add3A, %mul3A_1 : i32
    %mul3A_3 = arith.constant 200 : i32
    %mul3A_4 = arith.muli %add3A, %mul3A_3 : i32
    "tpu.region"() ({
      %run_scoped3A = tpu.sem_alloc : memref<!tpu.dma_semaphore, #tpu.memory_space<semaphore_mem>>
      %dma_start3A = arith.constant 0 : i32
      %dma_start3A_21 = tpu.memref_slice %arg3[%mul3A_4, %dma_start3A] : memref<6400x128xi32, #tpu.memory_space<hbm>> -> memref<200x128xi32, #tpu.memory_space<hbm>>
      %dma_start3A_22 = arith.constant 0 : i32
      %dma_start3A_23 = tpu.memref_slice %arg3[%mul3A_4, %dma_start3A_22] : memref<6400x128xi32, #tpu.memory_space<hbm>> -> memref<200x128xi32, #tpu.memory_space<hbm>>
      tpu.enqueue_dma source(%dma_start3A_23 : memref<200x128xi32, #tpu.memory_space<hbm>>) target(%arg5 : memref<200x128xi32, #tpu.memory_space<vmem>>) target_semaphore(%run_scoped3A : memref<!tpu.dma_semaphore, #tpu.memory_space<semaphore_mem>>)
      %dma_wait3A_24 = arith.constant 0 : i32
      %dma_wait3A_25 = tpu.memref_slice %arg3[%mul3A_4, %dma_wait3A_24] : memref<6400x128xi32, #tpu.memory_space<hbm>> -> memref<200x128xi32, #tpu.memory_space<hbm>>
      %dma_wait3A_26 = arith.constant 0 : i32
      %dma_wait3A_27 = tpu.memref_slice %arg3[%mul3A_4, %dma_wait3A_26] : memref<6400x128xi32, #tpu.memory_space<hbm>> -> memref<200x128xi32, #tpu.memory_space<hbm>>
      tpu.wait_dma2 semaphore(%run_scoped3A : memref<!tpu.dma_semaphore, #tpu.memory_space<semaphore_mem>>) src(%dma_wait3A_27 : memref<200x128xi32, #tpu.memory_space<hbm>>) dst(%arg5 : memref<200x128xi32, #tpu.memory_space<vmem>>)
      tpu.yield
    }) : () -> ()
    %scan3A = arith.constant 0 : i32
    %scan3A_5 = arith.constant 0 : i32
    %scan3A_6 = arith.constant 50 : i32
    %scan3A_7 = arith.addi %scan3A_5, %scan3A_6 : i32
    %scan3A_8 = arith.constant 1 : i32
    scf.for %scan3A_21 = %scan3A_5 to %scan3A_7 step %scan3A_8  : i32 {
      %mul3A_22 = arith.constant 2 : i32
      %mul3A_23 = arith.muli %scan3A_21, %mul3A_22 : i32
      %mul3A_24 = arith.constant 2 : i32
      %mul3A_25 = arith.muli %mul3A_23, %mul3A_24 : i32
      %gt3A = arith.constant 0 : i32
      %gt3A_26 = arith.cmpi sgt, %scan3A_21, %gt3A : i32
      %convert_element_type3A = arith.extui %gt3A_26 : i1 to i32
      %cond3A = arith.constant 0 : i32
      %cond3A_27 = arith.cmpi ne, %convert_element_type3A, %cond3A : i32
      scf.if %cond3A_27 {
        %dma_wait3A_166 = arith.constant 0 : i32
        %dma_wait3A_167 = arith.constant 0 : i32
        %dma_wait3A_168 = tpu.memref_slice %arg4[%dma_wait3A_166, %dma_wait3A_167] : memref<819200x128xf32, #tpu.memory_space<hbm>> -> memref<256x128xf32, #tpu.memory_space<hbm>>
        %dma_wait3A_169 = arith.constant 0 : i32
        %dma_wait3A_170 = arith.constant 0 : i32
        %dma_wait3A_171 = tpu.memref_slice %arg4[%dma_wait3A_169, %dma_wait3A_170] : memref<819200x128xf32, #tpu.memory_space<hbm>> -> memref<256x128xf32, #tpu.memory_space<hbm>>
        tpu.wait_dma2 semaphore(%arg12 : memref<!tpu.dma_semaphore, #tpu.memory_space<semaphore_mem>>) src(%arg6 : memref<256x128xf32, #tpu.memory_space<vmem>>) dst(%dma_wait3A_171 : memref<256x128xf32, #tpu.memory_space<hbm>>)
      } else {
      }
      %add3A_28 = arith.constant 0 : i32
      %add3A_29 = arith.addi %mul3A_25, %add3A_28 : i32
      %add3A_30 = arith.constant 0 : i32
      %add3A_31 = arith.addi %add3A_29, %add3A_30 : i32
      %dma_start3A = arith.constant 0 : i32
      %dma_start3A_32 = arith.constant 0 : i32
      %dma_start3A_33 = tpu.memref_slice %arg6[%dma_start3A, %dma_start3A_32] : memref<256x128xf32, #tpu.memory_space<vmem>> -> memref<128x128xf32, #tpu.memory_space<vmem>>
      %dma_start3A_34 = arith.constant 0 : i32
      %dma_start3A_35 = tpu.memref_slice %arg5[%add3A_31, %dma_start3A_34] : memref<200x128xi32, #tpu.memory_space<vmem>> -> memref<1x128xi32, #tpu.memory_space<vmem>>
      %dma_start3A_36 = tpu.memref_squeeze %dma_start3A_35 : memref<1x128xi32, #tpu.memory_space<vmem>> -> memref<128xi32, #tpu.memory_space<vmem>>
      %dma_start3A_37 = arith.constant 0 : i32
      %dma_start3A_38 = arith.constant 0 : i32
      %dma_start3A_39 = tpu.memref_slice %arg2[%dma_start3A_37, %dma_start3A_38] : memref<100000x128xf32, #tpu.memory_space<hbm>> -> memref<100000x128xf32, #tpu.memory_space<hbm>>
      tpu.enqueue_indirect_dma source(%dma_start3A_39 : memref<100000x128xf32, #tpu.memory_space<hbm>>) target(%dma_start3A_33 : memref<128x128xf32, #tpu.memory_space<vmem>>) offsets(%dma_start3A_36 : memref<128xi32, #tpu.memory_space<vmem>>) semaphore(%arg8 : memref<!tpu.dma_semaphore, #tpu.memory_space<semaphore_mem>>)
      %add3A_40 = arith.constant 0 : i32
      %add3A_41 = arith.addi %mul3A_25, %add3A_40 : i32
      %add3A_42 = arith.constant 1 : i32
      %add3A_43 = arith.addi %add3A_41, %add3A_42 : i32
      %dma_start3A_44 = arith.constant 128 : i32
      %dma_start3A_45 = arith.constant 0 : i32
      %dma_start3A_46 = tpu.memref_slice %arg6[%dma_start3A_44, %dma_start3A_45] : memref<256x128xf32, #tpu.memory_space<vmem>> -> memref<128x128xf32, #tpu.memory_space<vmem>>
      %dma_start3A_47 = arith.constant 0 : i32
      %dma_start3A_48 = tpu.memref_slice %arg5[%add3A_43, %dma_start3A_47] : memref<200x128xi32, #tpu.memory_space<vmem>> -> memref<1x128xi32, #tpu.memory_space<vmem>>
      %dma_start3A_49 = tpu.memref_squeeze %dma_start3A_48 : memref<1x128xi32, #tpu.memory_space<vmem>> -> memref<128xi32, #tpu.memory_space<vmem>>
      %dma_start3A_50 = arith.constant 0 : i32
      %dma_start3A_51 = arith.constant 0 : i32
      %dma_start3A_52 = tpu.memref_slice %arg2[%dma_start3A_50, %dma_start3A_51] : memref<100000x128xf32, #tpu.memory_space<hbm>> -> memref<100000x128xf32, #tpu.memory_space<hbm>>
      tpu.enqueue_indirect_dma source(%dma_start3A_52 : memref<100000x128xf32, #tpu.memory_space<hbm>>) target(%dma_start3A_46 : memref<128x128xf32, #tpu.memory_space<vmem>>) offsets(%dma_start3A_49 : memref<128xi32, #tpu.memory_space<vmem>>) semaphore(%arg9 : memref<!tpu.dma_semaphore, #tpu.memory_space<semaphore_mem>>)
      %gt3A_53 = arith.constant 0 : i32
      %gt3A_54 = arith.cmpi sgt, %scan3A_21, %gt3A_53 : i32
      %convert_element_type3A_55 = arith.extui %gt3A_54 : i1 to i32
      %cond3A_56 = arith.constant 0 : i32
      %cond3A_57 = arith.cmpi ne, %convert_element_type3A_55, %cond3A_56 : i32
      scf.if %cond3A_57 {
        %dma_wait3A_166 = arith.constant 0 : i32
        %dma_wait3A_167 = arith.constant 0 : i32
        %dma_wait3A_168 = tpu.memref_slice %arg4[%dma_wait3A_166, %dma_wait3A_167] : memref<819200x128xf32, #tpu.memory_space<hbm>> -> memref<256x128xf32, #tpu.memory_space<hbm>>
        %dma_wait3A_169 = arith.constant 0 : i32
        %dma_wait3A_170 = arith.constant 0 : i32
        %dma_wait3A_171 = tpu.memref_slice %arg4[%dma_wait3A_169, %dma_wait3A_170] : memref<819200x128xf32, #tpu.memory_space<hbm>> -> memref<256x128xf32, #tpu.memory_space<hbm>>
        tpu.wait_dma2 semaphore(%arg13 : memref<!tpu.dma_semaphore, #tpu.memory_space<semaphore_mem>>) src(%arg7 : memref<256x128xf32, #tpu.memory_space<vmem>>) dst(%dma_wait3A_171 : memref<256x128xf32, #tpu.memory_space<hbm>>)
      } else {
      }
      %add3A_58 = arith.constant 2 : i32
      %add3A_59 = arith.addi %mul3A_25, %add3A_58 : i32
      %add3A_60 = arith.constant 0 : i32
      %add3A_61 = arith.addi %add3A_59, %add3A_60 : i32
      %dma_start3A_62 = arith.constant 0 : i32
      %dma_start3A_63 = arith.constant 0 : i32
      %dma_start3A_64 = tpu.memref_slice %arg7[%dma_start3A_62, %dma_start3A_63] : memref<256x128xf32, #tpu.memory_space<vmem>> -> memref<128x128xf32, #tpu.memory_space<vmem>>
      %dma_start3A_65 = arith.constant 0 : i32
      %dma_start3A_66 = tpu.memref_slice %arg5[%add3A_61, %dma_start3A_65] : memref<200x128xi32, #tpu.memory_space<vmem>> -> memref<1x128xi32, #tpu.memory_space<vmem>>
      %dma_start3A_67 = tpu.memref_squeeze %dma_start3A_66 : memref<1x128xi32, #tpu.memory_space<vmem>> -> memref<128xi32, #tpu.memory_space<vmem>>
      %dma_start3A_68 = arith.constant 0 : i32
      %dma_start3A_69 = arith.constant 0 : i32
      %dma_start3A_70 = tpu.memref_slice %arg2[%dma_start3A_68, %dma_start3A_69] : memref<100000x128xf32, #tpu.memory_space<hbm>> -> memref<100000x128xf32, #tpu.memory_space<hbm>>
      tpu.enqueue_indirect_dma source(%dma_start3A_70 : memref<100000x128xf32, #tpu.memory_space<hbm>>) target(%dma_start3A_64 : memref<128x128xf32, #tpu.memory_space<vmem>>) offsets(%dma_start3A_67 : memref<128xi32, #tpu.memory_space<vmem>>) semaphore(%arg10 : memref<!tpu.dma_semaphore, #tpu.memory_space<semaphore_mem>>)
      %add3A_71 = arith.constant 2 : i32
      %add3A_72 = arith.addi %mul3A_25, %add3A_71 : i32
      %add3A_73 = arith.constant 1 : i32
      %add3A_74 = arith.addi %add3A_72, %add3A_73 : i32
      %dma_start3A_75 = arith.constant 128 : i32
      %dma_start3A_76 = arith.constant 0 : i32
      %dma_start3A_77 = tpu.memref_slice %arg7[%dma_start3A_75, %dma_start3A_76] : memref<256x128xf32, #tpu.memory_space<vmem>> -> memref<128x128xf32, #tpu.memory_space<vmem>>
      %dma_start3A_78 = arith.constant 0 : i32
      %dma_start3A_79 = tpu.memref_slice %arg5[%add3A_74, %dma_start3A_78] : memref<200x128xi32, #tpu.memory_space<vmem>> -> memref<1x128xi32, #tpu.memory_space<vmem>>
      %dma_start3A_80 = tpu.memref_squeeze %dma_start3A_79 : memref<1x128xi32, #tpu.memory_space<vmem>> -> memref<128xi32, #tpu.memory_space<vmem>>
      %dma_start3A_81 = arith.constant 0 : i32
      %dma_start3A_82 = arith.constant 0 : i32
      %dma_start3A_83 = tpu.memref_slice %arg2[%dma_start3A_81, %dma_start3A_82] : memref<100000x128xf32, #tpu.memory_space<hbm>> -> memref<100000x128xf32, #tpu.memory_space<hbm>>
      tpu.enqueue_indirect_dma source(%dma_start3A_83 : memref<100000x128xf32, #tpu.memory_space<hbm>>) target(%dma_start3A_77 : memref<128x128xf32, #tpu.memory_space<vmem>>) offsets(%dma_start3A_80 : memref<128xi32, #tpu.memory_space<vmem>>) semaphore(%arg11 : memref<!tpu.dma_semaphore, #tpu.memory_space<semaphore_mem>>)
      %add3A_84 = arith.constant 0 : i32
      %add3A_85 = arith.addi %mul3A_25, %add3A_84 : i32
      %add3A_86 = arith.constant 0 : i32
      %add3A_87 = arith.addi %add3A_85, %add3A_86 : i32
      %dma_wait3A_88 = arith.constant 0 : i32
      %dma_wait3A_89 = arith.constant 0 : i32
      %dma_wait3A_90 = tpu.memref_slice %arg6[%dma_wait3A_88, %dma_wait3A_89] : memref<256x128xf32, #tpu.memory_space<vmem>> -> memref<128x128xf32, #tpu.memory_space<vmem>>
      %dma_wait3A_91 = arith.constant 0 : i32
      %dma_wait3A_92 = tpu.memref_slice %arg5[%add3A_87, %dma_wait3A_91] : memref<200x128xi32, #tpu.memory_space<vmem>> -> memref<1x128xi32, #tpu.memory_space<vmem>>
      %dma_wait3A_93 = tpu.memref_squeeze %dma_wait3A_92 : memref<1x128xi32, #tpu.memory_space<vmem>> -> memref<128xi32, #tpu.memory_space<vmem>>
      %dma_wait3A_94 = arith.constant 0 : i32
      %dma_wait3A_95 = arith.constant 0 : i32
      %dma_wait3A_96 = tpu.memref_slice %arg2[%dma_wait3A_94, %dma_wait3A_95] : memref<100000x128xf32, #tpu.memory_space<hbm>> -> memref<100000x128xf32, #tpu.memory_space<hbm>>
      tpu.wait_indirect_dma semaphore(%arg8 : memref<!tpu.dma_semaphore, #tpu.memory_space<semaphore_mem>>) src(%dma_wait3A_96 : memref<100000x128xf32, #tpu.memory_space<hbm>>) dst(%dma_wait3A_90 : memref<128x128xf32, #tpu.memory_space<vmem>>)
      %add3A_97 = arith.constant 0 : i32
      %add3A_98 = arith.addi %mul3A_25, %add3A_97 : i32
      %add3A_99 = arith.constant 1 : i32
      %add3A_100 = arith.addi %add3A_98, %add3A_99 : i32
      %dma_wait3A_101 = arith.constant 128 : i32
      %dma_wait3A_102 = arith.constant 0 : i32
      %dma_wait3A_103 = tpu.memref_slice %arg6[%dma_wait3A_101, %dma_wait3A_102] : memref<256x128xf32, #tpu.memory_space<vmem>> -> memref<128x128xf32, #tpu.memory_space<vmem>>
      %dma_wait3A_104 = arith.constant 0 : i32
      %dma_wait3A_105 = tpu.memref_slice %arg5[%add3A_100, %dma_wait3A_104] : memref<200x128xi32, #tpu.memory_space<vmem>> -> memref<1x128xi32, #tpu.memory_space<vmem>>
      %dma_wait3A_106 = tpu.memref_squeeze %dma_wait3A_105 : memref<1x128xi32, #tpu.memory_space<vmem>> -> memref<128xi32, #tpu.memory_space<vmem>>
      %dma_wait3A_107 = arith.constant 0 : i32
      %dma_wait3A_108 = arith.constant 0 : i32
      %dma_wait3A_109 = tpu.memref_slice %arg2[%dma_wait3A_107, %dma_wait3A_108] : memref<100000x128xf32, #tpu.memory_space<hbm>> -> memref<100000x128xf32, #tpu.memory_space<hbm>>
      tpu.wait_indirect_dma semaphore(%arg9 : memref<!tpu.dma_semaphore, #tpu.memory_space<semaphore_mem>>) src(%dma_wait3A_109 : memref<100000x128xf32, #tpu.memory_space<hbm>>) dst(%dma_wait3A_103 : memref<128x128xf32, #tpu.memory_space<vmem>>)
      %scan3A_110 = arith.constant 0 : i32
      %scan3A_111 = arith.constant 0 : i32
      %scan3A_112 = arith.constant 256 : i32
      %scan3A_113 = arith.addi %scan3A_111, %scan3A_112 : i32
      %scan3A_114 = arith.constant 1 : i32
      scf.for %scan3A_166 = %scan3A_111 to %scan3A_113 step %scan3A_114  : i32 {
        %get3A = arith.index_cast %scan3A_166 : i32 to index
        %get3A_167 = arith.constant 0 : index
        %get3A_168 = tpu.vector_load %arg6[%get3A, %get3A_167] {strides = array<i32>} : memref<256x128xf32, #tpu.memory_space<vmem>>, vector<1x16xf32>,
        %get3A_169 = vector.shape_cast %get3A_168 : vector<1x16xf32> to vector<16xf32>
        %mul3A_170 = arith.constant 11.3137083 : f32
        %mul3A_171 = vector.broadcast %mul3A_170 : f32 to vector<16xf32>
        %mul3A_172 = arith.mulf %get3A_169, %mul3A_171 : vector<16xf32>
        %swap3A = arith.index_cast %scan3A_166 : i32 to index
        %swap3A_173 = arith.constant 0 : index
        %swap3A_174 = tpu.vector_load %arg6[%swap3A, %swap3A_173] {strides = array<i32>} : memref<256x128xf32, #tpu.memory_space<vmem>>, vector<1x16xf32>,
        %swap3A_175 = vector.shape_cast %swap3A_174 : vector<1x16xf32> to vector<16xf32>
        %swap3A_176 = vector.shape_cast %mul3A_172 : vector<16xf32> to vector<1x16xf32>
        tpu.vector_store %arg6[%swap3A, %swap3A_173], %swap3A_176 {strides = array<i32>} : memref<256x128xf32, #tpu.memory_space<vmem>>, vector<1x16xf32>,
        %get3A_177 = arith.index_cast %scan3A_166 : i32 to index
        %get3A_178 = arith.constant 16 : index
        %get3A_179 = tpu.vector_load %arg6[%get3A_177, %get3A_178] {strides = array<i32>} : memref<256x128xf32, #tpu.memory_space<vmem>>, vector<1x16xf32>,
        %get3A_180 = vector.shape_cast %get3A_179 : vector<1x16xf32> to vector<16xf32>
        %mul3A_181 = arith.constant 11.3137083 : f32
        %mul3A_182 = vector.broadcast %mul3A_181 : f32 to vector<16xf32>
        %mul3A_183 = arith.mulf %get3A_180, %mul3A_182 : vector<16xf32>
        %swap3A_184 = arith.index_cast %scan3A_166 : i32 to index
        %swap3A_185 = arith.constant 16 : index
        %swap3A_186 = tpu.vector_load %arg6[%swap3A_184, %swap3A_185] {strides = array<i32>} : memref<256x128xf32, #tpu.memory_space<vmem>>, vector<1x16xf32>,
        %swap3A_187 = vector.shape_cast %swap3A_186 : vector<1x16xf32> to vector<16xf32>
        %swap3A_188 = vector.shape_cast %mul3A_183 : vector<16xf32> to vector<1x16xf32>
        tpu.vector_store %arg6[%swap3A_184, %swap3A_185], %swap3A_188 {strides = array<i32>} : memref<256x128xf32, #tpu.memory_space<vmem>>, vector<1x16xf32>,
        %get3A_189 = arith.index_cast %scan3A_166 : i32 to index
        %get3A_190 = arith.constant 32 : index
        %get3A_191 = tpu.vector_load %arg6[%get3A_189, %get3A_190] {strides = array<i32>} : memref<256x128xf32, #tpu.memory_space<vmem>>, vector<1x16xf32>,
        %get3A_192 = vector.shape_cast %get3A_191 : vector<1x16xf32> to vector<16xf32>
        %mul3A_193 = arith.constant 11.3137083 : f32
        %mul3A_194 = vector.broadcast %mul3A_193 : f32 to vector<16xf32>
        %mul3A_195 = arith.mulf %get3A_192, %mul3A_194 : vector<16xf32>
        %swap3A_196 = arith.index_cast %scan3A_166 : i32 to index
        %swap3A_197 = arith.constant 32 : index
        %swap3A_198 = tpu.vector_load %arg6[%swap3A_196, %swap3A_197] {strides = array<i32>} : memref<256x128xf32, #tpu.memory_space<vmem>>, vector<1x16xf32>,
        %swap3A_199 = vector.shape_cast %swap3A_198 : vector<1x16xf32> to vector<16xf32>
        %swap3A_200 = vector.shape_cast %mul3A_195 : vector<16xf32> to vector<1x16xf32>
        tpu.vector_store %arg6[%swap3A_196, %swap3A_197], %swap3A_200 {strides = array<i32>} : memref<256x128xf32, #tpu.memory_space<vmem>>, vector<1x16xf32>,
        %get3A_201 = arith.index_cast %scan3A_166 : i32 to index
        %get3A_202 = arith.constant 48 : index
        %get3A_203 = tpu.vector_load %arg6[%get3A_201, %get3A_202] {strides = array<i32>} : memref<256x128xf32, #tpu.memory_space<vmem>>, vector<1x16xf32>,
        %get3A_204 = vector.shape_cast %get3A_203 : vector<1x16xf32> to vector<16xf32>
        %mul3A_205 = arith.constant 11.3137083 : f32
        %mul3A_206 = vector.broadcast %mul3A_205 : f32 to vector<16xf32>
        %mul3A_207 = arith.mulf %get3A_204, %mul3A_206 : vector<16xf32>
        %swap3A_208 = arith.index_cast %scan3A_166 : i32 to index
        %swap3A_209 = arith.constant 48 : index
        %swap3A_210 = tpu.vector_load %arg6[%swap3A_208, %swap3A_209] {strides = array<i32>} : memref<256x128xf32, #tpu.memory_space<vmem>>, vector<1x16xf32>,
        %swap3A_211 = vector.shape_cast %swap3A_210 : vector<1x16xf32> to vector<16xf32>
        %swap3A_212 = vector.shape_cast %mul3A_207 : vector<16xf32> to vector<1x16xf32>
        tpu.vector_store %arg6[%swap3A_208, %swap3A_209], %swap3A_212 {strides = array<i32>} : memref<256x128xf32, #tpu.memory_space<vmem>>, vector<1x16xf32>,
        %get3A_213 = arith.index_cast %scan3A_166 : i32 to index
        %get3A_214 = arith.constant 64 : index
        %get3A_215 = tpu.vector_load %arg6[%get3A_213, %get3A_214] {strides = array<i32>} : memref<256x128xf32, #tpu.memory_space<vmem>>, vector<1x16xf32>,
        %get3A_216 = vector.shape_cast %get3A_215 : vector<1x16xf32> to vector<16xf32>
        %mul3A_217 = arith.constant 11.3137083 : f32
        %mul3A_218 = vector.broadcast %mul3A_217 : f32 to vector<16xf32>
        %mul3A_219 = arith.mulf %get3A_216, %mul3A_218 : vector<16xf32>
        %swap3A_220 = arith.index_cast %scan3A_166 : i32 to index
        %swap3A_221 = arith.constant 64 : index
        %swap3A_222 = tpu.vector_load %arg6[%swap3A_220, %swap3A_221] {strides = array<i32>} : memref<256x128xf32, #tpu.memory_space<vmem>>, vector<1x16xf32>,
        %swap3A_223 = vector.shape_cast %swap3A_222 : vector<1x16xf32> to vector<16xf32>
        %swap3A_224 = vector.shape_cast %mul3A_219 : vector<16xf32> to vector<1x16xf32>
        tpu.vector_store %arg6[%swap3A_220, %swap3A_221], %swap3A_224 {strides = array<i32>} : memref<256x128xf32, #tpu.memory_space<vmem>>, vector<1x16xf32>,
        %get3A_225 = arith.index_cast %scan3A_166 : i32 to index
        %get3A_226 = arith.constant 80 : index
        %get3A_227 = tpu.vector_load %arg6[%get3A_225, %get3A_226] {strides = array<i32>} : memref<256x128xf32, #tpu.memory_space<vmem>>, vector<1x16xf32>,
        %get3A_228 = vector.shape_cast %get3A_227 : vector<1x16xf32> to vector<16xf32>
        %mul3A_229 = arith.constant 11.3137083 : f32
        %mul3A_230 = vector.broadcast %mul3A_229 : f32 to vector<16xf32>
        %mul3A_231 = arith.mulf %get3A_228, %mul3A_230 : vector<16xf32>
        %swap3A_232 = arith.index_cast %scan3A_166 : i32 to index
        %swap3A_233 = arith.constant 80 : index
        %swap3A_234 = tpu.vector_load %arg6[%swap3A_232, %swap3A_233] {strides = array<i32>} : memref<256x128xf32, #tpu.memory_space<vmem>>, vector<1x16xf32>,
        %swap3A_235 = vector.shape_cast %swap3A_234 : vector<1x16xf32> to vector<16xf32>
        %swap3A_236 = vector.shape_cast %mul3A_231 : vector<16xf32> to vector<1x16xf32>
        tpu.vector_store %arg6[%swap3A_232, %swap3A_233], %swap3A_236 {strides = array<i32>} : memref<256x128xf32, #tpu.memory_space<vmem>>, vector<1x16xf32>,
        %get3A_237 = arith.index_cast %scan3A_166 : i32 to index
        %get3A_238 = arith.constant 96 : index
        %get3A_239 = tpu.vector_load %arg6[%get3A_237, %get3A_238] {strides = array<i32>} : memref<256x128xf32, #tpu.memory_space<vmem>>, vector<1x16xf32>,
        %get3A_240 = vector.shape_cast %get3A_239 : vector<1x16xf32> to vector<16xf32>
        %mul3A_241 = arith.constant 11.3137083 : f32
        %mul3A_242 = vector.broadcast %mul3A_241 : f32 to vector<16xf32>
        %mul3A_243 = arith.mulf %get3A_240, %mul3A_242 : vector<16xf32>
        %swap3A_244 = arith.index_cast %scan3A_166 : i32 to index
        %swap3A_245 = arith.constant 96 : index
        %swap3A_246 = tpu.vector_load %arg6[%swap3A_244, %swap3A_245] {strides = array<i32>} : memref<256x128xf32, #tpu.memory_space<vmem>>, vector<1x16xf32>,
        %swap3A_247 = vector.shape_cast %swap3A_246 : vector<1x16xf32> to vector<16xf32>
        %swap3A_248 = vector.shape_cast %mul3A_243 : vector<16xf32> to vector<1x16xf32>
        tpu.vector_store %arg6[%swap3A_244, %swap3A_245], %swap3A_248 {strides = array<i32>} : memref<256x128xf32, #tpu.memory_space<vmem>>, vector<1x16xf32>,
        %get3A_249 = arith.index_cast %scan3A_166 : i32 to index
        %get3A_250 = arith.constant 112 : index
        %get3A_251 = tpu.vector_load %arg6[%get3A_249, %get3A_250] {strides = array<i32>} : memref<256x128xf32, #tpu.memory_space<vmem>>, vector<1x16xf32>,
        %get3A_252 = vector.shape_cast %get3A_251 : vector<1x16xf32> to vector<16xf32>
        %mul3A_253 = arith.constant 11.3137083 : f32
        %mul3A_254 = vector.broadcast %mul3A_253 : f32 to vector<16xf32>
        %mul3A_255 = arith.mulf %get3A_252, %mul3A_254 : vector<16xf32>
        %swap3A_256 = arith.index_cast %scan3A_166 : i32 to index
        %swap3A_257 = arith.constant 112 : index
        %swap3A_258 = tpu.vector_load %arg6[%swap3A_256, %swap3A_257] {strides = array<i32>} : memref<256x128xf32, #tpu.memory_space<vmem>>, vector<1x16xf32>,
        %swap3A_259 = vector.shape_cast %swap3A_258 : vector<1x16xf32> to vector<16xf32>
        %swap3A_260 = vector.shape_cast %mul3A_255 : vector<16xf32> to vector<1x16xf32>
        tpu.vector_store %arg6[%swap3A_256, %swap3A_257], %swap3A_260 {strides = array<i32>} : memref<256x128xf32, #tpu.memory_space<vmem>>, vector<1x16xf32>,
      }
      %scan3A_115 = arith.constant 256 : i32
      %add3A_116 = arith.constant 0 : i32
      %add3A_117 = arith.addi %mul3A_25, %add3A_116 : i32
      %mul3A_118 = arith.constant 128 : i32
      %mul3A_119 = arith.muli %add3A_117, %mul3A_118 : i32
      %add3A_120 = arith.addi %mul3A_2, %mul3A_119 : i32
      %dma_start3A_121 = arith.constant 0 : i32
      %dma_start3A_122 = tpu.memref_slice %arg4[%add3A_120, %dma_start3A_121] : memref<819200x128xf32, #tpu.memory_space<hbm>> -> memref<256x128xf32, #tpu.memory_space<hbm>>
      %dma_start3A_123 = arith.constant 0 : i32
      %dma_start3A_124 = tpu.memref_slice %arg4[%add3A_120, %dma_start3A_123] : memref<819200x128xf32, #tpu.memory_space<hbm>> -> memref<256x128xf32, #tpu.memory_space<hbm>>
      tpu.enqueue_dma source(%arg6 : memref<256x128xf32, #tpu.memory_space<vmem>>) target(%dma_start3A_124 : memref<256x128xf32, #tpu.memory_space<hbm>>) target_semaphore(%arg12 : memref<!tpu.dma_semaphore, #tpu.memory_space<semaphore_mem>>)
      %add3A_125 = arith.constant 2 : i32
      %add3A_126 = arith.addi %mul3A_25, %add3A_125 : i32
      %add3A_127 = arith.constant 0 : i32
      %add3A_128 = arith.addi %add3A_126, %add3A_127 : i32
      %dma_wait3A_129 = arith.constant 0 : i32
      %dma_wait3A_130 = arith.constant 0 : i32
      %dma_wait3A_131 = tpu.memref_slice %arg7[%dma_wait3A_129, %dma_wait3A_130] : memref<256x128xf32, #tpu.memory_space<vmem>> -> memref<128x128xf32, #tpu.memory_space<vmem>>
      %dma_wait3A_132 = arith.constant 0 : i32
      %dma_wait3A_133 = tpu.memref_slice %arg5[%add3A_128, %dma_wait3A_132] : memref<200x128xi32, #tpu.memory_space<vmem>> -> memref<1x128xi32, #tpu.memory_space<vmem>>
      %dma_wait3A_134 = tpu.memref_squeeze %dma_wait3A_133 : memref<1x128xi32, #tpu.memory_space<vmem>> -> memref<128xi32, #tpu.memory_space<vmem>>
      %dma_wait3A_135 = arith.constant 0 : i32
      %dma_wait3A_136 = arith.constant 0 : i32
      %dma_wait3A_137 = tpu.memref_slice %arg2[%dma_wait3A_135, %dma_wait3A_136] : memref<100000x128xf32, #tpu.memory_space<hbm>> -> memref<100000x128xf32, #tpu.memory_space<hbm>>
      tpu.wait_indirect_dma semaphore(%arg10 : memref<!tpu.dma_semaphore, #tpu.memory_space<semaphore_mem>>) src(%dma_wait3A_137 : memref<100000x128xf32, #tpu.memory_space<hbm>>) dst(%dma_wait3A_131 : memref<128x128xf32, #tpu.memory_space<vmem>>)
      %add3A_138 = arith.constant 2 : i32
      %add3A_139 = arith.addi %mul3A_25, %add3A_138 : i32
      %add3A_140 = arith.constant 1 : i32
      %add3A_141 = arith.addi %add3A_139, %add3A_140 : i32
      %dma_wait3A_142 = arith.constant 128 : i32
      %dma_wait3A_143 = arith.constant 0 : i32
      %dma_wait3A_144 = tpu.memref_slice %arg7[%dma_wait3A_142, %dma_wait3A_143] : memref<256x128xf32, #tpu.memory_space<vmem>> -> memref<128x128xf32, #tpu.memory_space<vmem>>
      %dma_wait3A_145 = arith.constant 0 : i32
      %dma_wait3A_146 = tpu.memref_slice %arg5[%add3A_141, %dma_wait3A_145] : memref<200x128xi32, #tpu.memory_space<vmem>> -> memref<1x128xi32, #tpu.memory_space<vmem>>
      %dma_wait3A_147 = tpu.memref_squeeze %dma_wait3A_146 : memref<1x128xi32, #tpu.memory_space<vmem>> -> memref<128xi32, #tpu.memory_space<vmem>>
      %dma_wait3A_148 = arith.constant 0 : i32
      %dma_wait3A_149 = arith.constant 0 : i32
      %dma_wait3A_150 = tpu.memref_slice %arg2[%dma_wait3A_148, %dma_wait3A_149] : memref<100000x128xf32, #tpu.memory_space<hbm>> -> memref<100000x128xf32, #tpu.memory_space<hbm>>
      tpu.wait_indirect_dma semaphore(%arg11 : memref<!tpu.dma_semaphore, #tpu.memory_space<semaphore_mem>>) src(%dma_wait3A_150 : memref<100000x128xf32, #tpu.memory_space<hbm>>) dst(%dma_wait3A_144 : memref<128x128xf32, #tpu.memory_space<vmem>>)
      %scan3A_151 = arith.constant 0 : i32
      %scan3A_152 = arith.constant 0 : i32
      %scan3A_153 = arith.constant 256 : i32
      %scan3A_154 = arith.addi %scan3A_152, %scan3A_153 : i32
      %scan3A_155 = arith.constant 1 : i32
      scf.for %scan3A_166 = %scan3A_152 to %scan3A_154 step %scan3A_155  : i32 {
        %get3A = arith.index_cast %scan3A_166 : i32 to index
        %get3A_167 = arith.constant 0 : index
        %get3A_168 = tpu.vector_load %arg7[%get3A, %get3A_167] {strides = array<i32>} : memref<256x128xf32, #tpu.memory_space<vmem>>, vector<1x16xf32>,
        %get3A_169 = vector.shape_cast %get3A_168 : vector<1x16xf32> to vector<16xf32>
        %mul3A_170 = arith.constant 11.3137083 : f32
        %mul3A_171 = vector.broadcast %mul3A_170 : f32 to vector<16xf32>
        %mul3A_172 = arith.mulf %get3A_169, %mul3A_171 : vector<16xf32>
        %swap3A = arith.index_cast %scan3A_166 : i32 to index
        %swap3A_173 = arith.constant 0 : index
        %swap3A_174 = tpu.vector_load %arg7[%swap3A, %swap3A_173] {strides = array<i32>} : memref<256x128xf32, #tpu.memory_space<vmem>>, vector<1x16xf32>,
        %swap3A_175 = vector.shape_cast %swap3A_174 : vector<1x16xf32> to vector<16xf32>
        %swap3A_176 = vector.shape_cast %mul3A_172 : vector<16xf32> to vector<1x16xf32>
        tpu.vector_store %arg7[%swap3A, %swap3A_173], %swap3A_176 {strides = array<i32>} : memref<256x128xf32, #tpu.memory_space<vmem>>, vector<1x16xf32>,
        %get3A_177 = arith.index_cast %scan3A_166 : i32 to index
        %get3A_178 = arith.constant 16 : index
        %get3A_179 = tpu.vector_load %arg7[%get3A_177, %get3A_178] {strides = array<i32>} : memref<256x128xf32, #tpu.memory_space<vmem>>, vector<1x16xf32>,
        %get3A_180 = vector.shape_cast %get3A_179 : vector<1x16xf32> to vector<16xf32>
        %mul3A_181 = arith.constant 11.3137083 : f32
        %mul3A_182 = vector.broadcast %mul3A_181 : f32 to vector<16xf32>
        %mul3A_183 = arith.mulf %get3A_180, %mul3A_182 : vector<16xf32>
        %swap3A_184 = arith.index_cast %scan3A_166 : i32 to index
        %swap3A_185 = arith.constant 16 : index
        %swap3A_186 = tpu.vector_load %arg7[%swap3A_184, %swap3A_185] {strides = array<i32>} : memref<256x128xf32, #tpu.memory_space<vmem>>, vector<1x16xf32>,
        %swap3A_187 = vector.shape_cast %swap3A_186 : vector<1x16xf32> to vector<16xf32>
        %swap3A_188 = vector.shape_cast %mul3A_183 : vector<16xf32> to vector<1x16xf32>
        tpu.vector_store %arg7[%swap3A_184, %swap3A_185], %swap3A_188 {strides = array<i32>} : memref<256x128xf32, #tpu.memory_space<vmem>>, vector<1x16xf32>,
        %get3A_189 = arith.index_cast %scan3A_166 : i32 to index
        %get3A_190 = arith.constant 32 : index
        %get3A_191 = tpu.vector_load %arg7[%get3A_189, %get3A_190] {strides = array<i32>} : memref<256x128xf32, #tpu.memory_space<vmem>>, vector<1x16xf32>,
        %get3A_192 = vector.shape_cast %get3A_191 : vector<1x16xf32> to vector<16xf32>
        %mul3A_193 = arith.constant 11.3137083 : f32
        %mul3A_194 = vector.broadcast %mul3A_193 : f32 to vector<16xf32>
        %mul3A_195 = arith.mulf %get3A_192, %mul3A_194 : vector<16xf32>
        %swap3A_196 = arith.index_cast %scan3A_166 : i32 to index
        %swap3A_197 = arith.constant 32 : index
        %swap3A_198 = tpu.vector_load %arg7[%swap3A_196, %swap3A_197] {strides = array<i32>} : memref<256x128xf32, #tpu.memory_space<vmem>>, vector<1x16xf32>,
        %swap3A_199 = vector.shape_cast %swap3A_198 : vector<1x16xf32> to vector<16xf32>
        %swap3A_200 = vector.shape_cast %mul3A_195 : vector<16xf32> to vector<1x16xf32>
        tpu.vector_store %arg7[%swap3A_196, %swap3A_197], %swap3A_200 {strides = array<i32>} : memref<256x128xf32, #tpu.memory_space<vmem>>, vector<1x16xf32>,
        %get3A_201 = arith.index_cast %scan3A_166 : i32 to index
        %get3A_202 = arith.constant 48 : index
        %get3A_203 = tpu.vector_load %arg7[%get3A_201, %get3A_202] {strides = array<i32>} : memref<256x128xf32, #tpu.memory_space<vmem>>, vector<1x16xf32>,
        %get3A_204 = vector.shape_cast %get3A_203 : vector<1x16xf32> to vector<16xf32>
        %mul3A_205 = arith.constant 11.3137083 : f32
        %mul3A_206 = vector.broadcast %mul3A_205 : f32 to vector<16xf32>
        %mul3A_207 = arith.mulf %get3A_204, %mul3A_206 : vector<16xf32>
        %swap3A_208 = arith.index_cast %scan3A_166 : i32 to index
        %swap3A_209 = arith.constant 48 : index
        %swap3A_210 = tpu.vector_load %arg7[%swap3A_208, %swap3A_209] {strides = array<i32>} : memref<256x128xf32, #tpu.memory_space<vmem>>, vector<1x16xf32>,
        %swap3A_211 = vector.shape_cast %swap3A_210 : vector<1x16xf32> to vector<16xf32>
        %swap3A_212 = vector.shape_cast %mul3A_207 : vector<16xf32> to vector<1x16xf32>
        tpu.vector_store %arg7[%swap3A_208, %swap3A_209], %swap3A_212 {strides = array<i32>} : memref<256x128xf32, #tpu.memory_space<vmem>>, vector<1x16xf32>,
        %get3A_213 = arith.index_cast %scan3A_166 : i32 to index
        %get3A_214 = arith.constant 64 : index
        %get3A_215 = tpu.vector_load %arg7[%get3A_213, %get3A_214] {strides = array<i32>} : memref<256x128xf32, #tpu.memory_space<vmem>>, vector<1x16xf32>,
        %get3A_216 = vector.shape_cast %get3A_215 : vector<1x16xf32> to vector<16xf32>
        %mul3A_217 = arith.constant 11.3137083 : f32
        %mul3A_218 = vector.broadcast %mul3A_217 : f32 to vector<16xf32>
        %mul3A_219 = arith.mulf %get3A_216, %mul3A_218 : vector<16xf32>
        %swap3A_220 = arith.index_cast %scan3A_166 : i32 to index
        %swap3A_221 = arith.constant 64 : index
        %swap3A_222 = tpu.vector_load %arg7[%swap3A_220, %swap3A_221] {strides = array<i32>} : memref<256x128xf32, #tpu.memory_space<vmem>>, vector<1x16xf32>,
        %swap3A_223 = vector.shape_cast %swap3A_222 : vector<1x16xf32> to vector<16xf32>
        %swap3A_224 = vector.shape_cast %mul3A_219 : vector<16xf32> to vector<1x16xf32>
        tpu.vector_store %arg7[%swap3A_220, %swap3A_221], %swap3A_224 {strides = array<i32>} : memref<256x128xf32, #tpu.memory_space<vmem>>, vector<1x16xf32>,
        %get3A_225 = arith.index_cast %scan3A_166 : i32 to index
        %get3A_226 = arith.constant 80 : index
        %get3A_227 = tpu.vector_load %arg7[%get3A_225, %get3A_226] {strides = array<i32>} : memref<256x128xf32, #tpu.memory_space<vmem>>, vector<1x16xf32>,
        %get3A_228 = vector.shape_cast %get3A_227 : vector<1x16xf32> to vector<16xf32>
        %mul3A_229 = arith.constant 11.3137083 : f32
        %mul3A_230 = vector.broadcast %mul3A_229 : f32 to vector<16xf32>
        %mul3A_231 = arith.mulf %get3A_228, %mul3A_230 : vector<16xf32>
        %swap3A_232 = arith.index_cast %scan3A_166 : i32 to index
        %swap3A_233 = arith.constant 80 : index
        %swap3A_234 = tpu.vector_load %arg7[%swap3A_232, %swap3A_233] {strides = array<i32>} : memref<256x128xf32, #tpu.memory_space<vmem>>, vector<1x16xf32>,
        %swap3A_235 = vector.shape_cast %swap3A_234 : vector<1x16xf32> to vector<16xf32>
        %swap3A_236 = vector.shape_cast %mul3A_231 : vector<16xf32> to vector<1x16xf32>
        tpu.vector_store %arg7[%swap3A_232, %swap3A_233], %swap3A_236 {strides = array<i32>} : memref<256x128xf32, #tpu.memory_space<vmem>>, vector<1x16xf32>,
        %get3A_237 = arith.index_cast %scan3A_166 : i32 to index
        %get3A_238 = arith.constant 96 : index
        %get3A_239 = tpu.vector_load %arg7[%get3A_237, %get3A_238] {strides = array<i32>} : memref<256x128xf32, #tpu.memory_space<vmem>>, vector<1x16xf32>,
        %get3A_240 = vector.shape_cast %get3A_239 : vector<1x16xf32> to vector<16xf32>
        %mul3A_241 = arith.constant 11.3137083 : f32
        %mul3A_242 = vector.broadcast %mul3A_241 : f32 to vector<16xf32>
        %mul3A_243 = arith.mulf %get3A_240, %mul3A_242 : vector<16xf32>
        %swap3A_244 = arith.index_cast %scan3A_166 : i32 to index
        %swap3A_245 = arith.constant 96 : index
        %swap3A_246 = tpu.vector_load %arg7[%swap3A_244, %swap3A_245] {strides = array<i32>} : memref<256x128xf32, #tpu.memory_space<vmem>>, vector<1x16xf32>,
        %swap3A_247 = vector.shape_cast %swap3A_246 : vector<1x16xf32> to vector<16xf32>
        %swap3A_248 = vector.shape_cast %mul3A_243 : vector<16xf32> to vector<1x16xf32>
        tpu.vector_store %arg7[%swap3A_244, %swap3A_245], %swap3A_248 {strides = array<i32>} : memref<256x128xf32, #tpu.memory_space<vmem>>, vector<1x16xf32>,
        %get3A_249 = arith.index_cast %scan3A_166 : i32 to index
        %get3A_250 = arith.constant 112 : index
        %get3A_251 = tpu.vector_load %arg7[%get3A_249, %get3A_250] {strides = array<i32>} : memref<256x128xf32, #tpu.memory_space<vmem>>, vector<1x16xf32>,
        %get3A_252 = vector.shape_cast %get3A_251 : vector<1x16xf32> to vector<16xf32>
        %mul3A_253 = arith.constant 11.3137083 : f32
        %mul3A_254 = vector.broadcast %mul3A_253 : f32 to vector<16xf32>
        %mul3A_255 = arith.mulf %get3A_252, %mul3A_254 : vector<16xf32>
        %swap3A_256 = arith.index_cast %scan3A_166 : i32 to index
        %swap3A_257 = arith.constant 112 : index
        %swap3A_258 = tpu.vector_load %arg7[%swap3A_256, %swap3A_257] {strides = array<i32>} : memref<256x128xf32, #tpu.memory_space<vmem>>, vector<1x16xf32>,
        %swap3A_259 = vector.shape_cast %swap3A_258 : vector<1x16xf32> to vector<16xf32>
        %swap3A_260 = vector.shape_cast %mul3A_255 : vector<16xf32> to vector<1x16xf32>
        tpu.vector_store %arg7[%swap3A_256, %swap3A_257], %swap3A_260 {strides = array<i32>} : memref<256x128xf32, #tpu.memory_space<vmem>>, vector<1x16xf32>,
      }
      %scan3A_156 = arith.constant 256 : i32
      %add3A_157 = arith.constant 2 : i32
      %add3A_158 = arith.addi %mul3A_25, %add3A_157 : i32
      %mul3A_159 = arith.constant 128 : i32
      %mul3A_160 = arith.muli %add3A_158, %mul3A_159 : i32
      %add3A_161 = arith.addi %mul3A_2, %mul3A_160 : i32
      %dma_start3A_162 = arith.constant 0 : i32
      %dma_start3A_163 = tpu.memref_slice %arg4[%add3A_161, %dma_start3A_162] : memref<819200x128xf32, #tpu.memory_space<hbm>> -> memref<256x128xf32, #tpu.memory_space<hbm>>
      %dma_start3A_164 = arith.constant 0 : i32
      %dma_start3A_165 = tpu.memref_slice %arg4[%add3A_161, %dma_start3A_164] : memref<819200x128xf32, #tpu.memory_space<hbm>> -> memref<256x128xf32, #tpu.memory_space<hbm>>
      tpu.enqueue_dma source(%arg7 : memref<256x128xf32, #tpu.memory_space<vmem>>) target(%dma_start3A_165 : memref<256x128xf32, #tpu.memory_space<hbm>>) target_semaphore(%arg13 : memref<!tpu.dma_semaphore, #tpu.memory_space<semaphore_mem>>)
    }
    %scan3A_9 = arith.constant 50 : i32
    %dma_wait3A = arith.constant 0 : i32
    %dma_wait3A_10 = arith.constant 0 : i32
    %dma_wait3A_11 = tpu.memref_slice %arg4[%dma_wait3A, %dma_wait3A_10] : memref<819200x128xf32, #tpu.memory_space<hbm>> -> memref<256x128xf32, #tpu.memory_space<hbm>>
    %dma_wait3A_12 = arith.constant 0 : i32
    %dma_wait3A_13 = arith.constant 0 : i32
    %dma_wait3A_14 = tpu.memref_slice %arg4[%dma_wait3A_12, %dma_wait3A_13] : memref<819200x128xf32, #tpu.memory_space<hbm>> -> memref<256x128xf32, #tpu.memory_space<hbm>>
    tpu.wait_dma2 semaphore(%arg12 : memref<!tpu.dma_semaphore, #tpu.memory_space<semaphore_mem>>) src(%arg6 : memref<256x128xf32, #tpu.memory_space<vmem>>) dst(%dma_wait3A_14 : memref<256x128xf32, #tpu.memory_space<hbm>>)
    %dma_wait3A_15 = arith.constant 0 : i32
    %dma_wait3A_16 = arith.constant 0 : i32
    %dma_wait3A_17 = tpu.memref_slice %arg4[%dma_wait3A_15, %dma_wait3A_16] : memref<819200x128xf32, #tpu.memory_space<hbm>> -> memref<256x128xf32, #tpu.memory_space<hbm>>
    %dma_wait3A_18 = arith.constant 0 : i32
    %dma_wait3A_19 = arith.constant 0 : i32
    %dma_wait3A_20 = tpu.memref_slice %arg4[%dma_wait3A_18, %dma_wait3A_19] : memref<819200x128xf32, #tpu.memory_space<hbm>> -> memref<256x128xf32, #tpu.memory_space<hbm>>
    tpu.wait_dma2 semaphore(%arg13 : memref<!tpu.dma_semaphore, #tpu.memory_space<semaphore_mem>>) src(%arg7 : memref<256x128xf32, #tpu.memory_space<vmem>>) dst(%dma_wait3A_20 : memref<256x128xf32, #tpu.memory_space<hbm>>)
    return
  }
}

</mosaic_0001>

<sc_bundles>
// kernel: kernel.3.cloned.1.call-start
scs
__scs_entry_jumppad:
0x0: {  	(pc) =	sbr.rel $0x88, $3  }
0x1: {  	(tag) =	ssettag $0x0;
	lr =	simm.s32 $0x1  }
0x2: {  	[smem:$0x3F9F] =	sst lr;
	_ =	strace $0xD0000000  }
0x3: {  	_ = 	snop  }
0x4: {  	_ = 	snop  }
0x5: {  	_ = 	snop  }
0x6: {  	_ = 	snop  }
0x7: {  	_ = 	snop  }
__scs_overlays_trampoline_lowered:
0x8: {  	[smem:$0x3FAE] =	sst s0  }
0x9: {  	[smem:$0x3FAF] =	sst s1  }
0xa: {  	[smem:$0x3FB0] =	sst s2  }
0xb: {  	[smem:$0x3FB1] =	sst s3  }
0xc: {  	[smem:$0x3FB2] =	sst s4  }
0xd: {  	[smem:$0x3FB3] =	sst s5  }
0xe: {  	[smem:$0x3FB4] =	sst s6  }
0xf: {  	[smem:$0x3FB5] =	sst s7  }
0x10: {  	[smem:$0x3FB6] =	sst s8  }
0x11: {  	[smem:$0x3FB7] =	sst s9;
	s0 =	simm.s32 @!p0 $0x0  }
0x12: {  	s1 =	sld [smem:$0x3F9D];
	s0 =	simm.s32 @p0 $0x1  }
0x13: {  	[smem:$0x3FB8] =	sst s0;
	s0 =	simm.s32 @!p1 $0x0  }
0x14: {  	s2 =	sld [smem:$0x3F9C];
	s0 =	simm.s32 @p1 $0x1  }
0x15: {  	[smem:$0x3FB9] =	sst s0;
	s0 =	simm.s32 @!p2 $0x0  }
0x16: {  	s3 =	sld [smem:$0x3FDB];
	s0 =	simm.s32 @p2 $0x1  }
0x17: {  	s4 =	simm.s32 $0x1BF5;
	[smem:$0x3FBB] =	sst s0  }
0x18: {  	s0 =	sld [smem:$0x3F9E];
	_ =	swait.ge [sflag:s4], $0x0  }
0x19: {  	s7 =	sld [smem:$0x3F9F]  }
0x1a: {  	s8 =	sadd.s32 $0xFFFFE003, lr  }
0x1b: {  	s9 =	sadd.s32 $0xFFFFFEF7, lr;
	s5 =	simm.s32 $0xFFFFFFFF;
	p2 =	slt.u32 s8, $0xFFFFF086  }
0x1c: {  	p1 =	slt.u32 s9, $0xF7A;
	s5 =	simm.s32 @!p2 $0x0  }
0x1d: {  	s5 =	simm.s32 @p1 $0x1;
	p0 =	seq.s32 s7, s2  }
0x1e: {  	s7 =	smul.u32 @!p0 $0xF7A, s2;
	p2 =	seq.s32 @!p0 s5, $0x0  }
0x1f: {  	s9 =	smul.u32 $0xF7A, s1;
	s8 =	simm.s32 @!p0 $0x1BF5;
	p2 =	por !p2, p0  }
0x20: {  	[sflag:s8] =	ssyncset.s32 @!p0 $0xFFFFF086;
	s6 =	sadd.s32 @!p0 s3, s7;
	s7 =	simm.s32 @!p0 $0x108  }
0x21: {  	s3 =	sadd.s32 s3, s9;
	s6 =	sadd.s32 @!p0 $0x88, s6;
	s7 =	simm.s32 @p2 $0x1082  }
0x22: {  	[simem:s7], [sflag:s8] =	dma.local @!p0 [hbm:s6], $0xF7A  }
0x23: {  	s9 =	sor.u32 $0xD0000000, s2;
	s6 =	simm.s32 $0x108;
	_ =	swait.ge @!p0 [sflag:s8], $0x0  }
0x24: {  	s3 =	sadd.s32 $0x88, s3;
	s6 =	simm.s32 @!p1 $0x1082;
	[sflag:s4] =	ssyncset.s32 $0xFFFFF086  }
0x25: {  	[simem:s6], [sflag:s4] =	dma.local [hbm:s3], $0xF7A  }
0x26: {  	[smem:$0x3F9F] =	sst s1;
	(tag) =	ssettag s2;
	_ =	strace s9  }
0x27: {  	s1 =	sld [smem:$0x3FAF]  }
0x28: {  	s2 =	sld [smem:$0x3FB0]  }
0x29: {  	s4 =	sld [smem:$0x3FB2]  }
0x2a: {  	p0 =	seq.s32 s5, $0x0;
	s5 =	sld [smem:$0x3FB3]  }
0x2b: {  	s6 =	sld [smem:$0x3FB4]  }
0x2c: {  	s7 =	sld [smem:$0x3FB5]  }
0x2d: {  	s3 =	simm.s32 $0x108;
	s8 =	sld [smem:$0x3FB6]  }
0x2e: {  	s3 =	simm.s32 @!p0 $0x1082;
	s9 =	sld [smem:$0x3FB7]  }
0x2f: {  	lr =	sadd.s32 s0, s3;
	s0 =	sld [smem:$0x3FAE]  }
0x30: {  	s3 =	sld [smem:$0x3FB1]  }
0x31: {  	[smem:$0x3FBA] =	sst s10  }
0x32: {  	s10 =	sld [smem:$0x3FB8];
	_ =	sdelay $0x3  }
0x33: {  	p0 =	seq.s32 s10, $0x1;
	s10 =	sld [smem:$0x3FBA];
	_ =	sdelay $0x3  }
0x34: {  	[smem:$0x3FBA] =	sst s10  }
0x35: {  	s10 =	sld [smem:$0x3FB9];
	_ =	sdelay $0x3  }
0x36: {  	p1 =	seq.s32 s10, $0x1;
	s10 =	sld [smem:$0x3FBA];
	_ =	sdelay $0x3  }
0x37: {  	[smem:$0x3FBA] =	sst s10  }
0x38: {  	s10 =	sld [smem:$0x3FBB]  }
0x39: {  	_ = 	snop;
	(pc) =	sbr.ind lr, $3  }
0x3a: {  	_ = 	snop  }
0x3b: {  	_ = 	snop  }
0x3c: {  	p2 =	seq.s32 s10, $0x1;
	s10 =	sld [smem:$0x3FBA]  }
0x3d: {  	_ =	shalt  }
0x3e: {  	_ =	shalt  }
0x3f: {  	_ =	shalt  }
0x40: {  	_ =	shalt  }
0x41: {  	_ =	shalt  }
0x42: {  	_ =	shalt  }
0x43: {  	_ =	shalt  }
0x44: {  	_ =	shalt  }
0x45: {  	_ =	shalt  }
0x46: {  	_ =	shalt  }
0x47: {  	_ =	shalt  }
0x48: {  	_ =	shalt  }
0x49: {  	_ =	shalt  }
0x4a: {  	_ =	shalt  }
0x4b: {  	_ =	shalt  }
0x4c: {  	_ =	shalt  }
0x4d: {  	_ =	shalt  }
0x4e: {  	_ =	shalt  }
0x4f: {  	_ =	shalt  }
0x50: {  	_ =	shalt  }
0x51: {  	_ =	shalt  }
0x52: {  	_ =	shalt  }
0x53: {  	_ =	shalt  }
0x54: {  	_ =	shalt  }
0x55: {  	_ =	shalt  }
0x56: {  	_ =	shalt  }
0x57: {  	_ =	shalt  }
0x58: {  	_ =	shalt  }
0x59: {  	_ =	shalt  }
0x5a: {  	_ =	shalt  }
0x5b: {  	_ =	shalt  }
0x5c: {  	_ =	shalt  }
0x5d: {  	_ =	shalt  }
0x5e: {  	_ =	shalt  }
0x5f: {  	_ =	shalt  }
0x60: {  	_ =	shalt  }
0x61: {  	_ =	shalt  }
0x62: {  	_ =	shalt  }
0x63: {  	_ =	shalt  }
0x64: {  	_ =	shalt  }
0x65: {  	_ =	shalt  }
0x66: {  	_ =	shalt  }
0x67: {  	_ =	shalt  }
0x68: {  	_ =	shalt  }
0x69: {  	_ =	shalt  }
0x6a: {  	_ =	shalt  }
0x6b: {  	_ =	shalt  }
0x6c: {  	_ =	shalt  }
0x6d: {  	_ =	shalt  }
0x6e: {  	_ =	shalt  }
0x6f: {  	_ =	shalt  }
0x70: {  	_ =	shalt  }
0x71: {  	_ =	shalt  }
0x72: {  	_ =	shalt  }
0x73: {  	_ =	shalt  }
0x74: {  	_ =	shalt  }
0x75: {  	_ =	shalt  }
0x76: {  	_ =	shalt  }
0x77: {  	_ =	shalt  }
0x78: {  	_ =	shalt  }
0x79: {  	_ =	shalt  }
0x7a: {  	_ =	shalt  }
0x7b: {  	_ =	shalt  }
0x7c: {  	_ =	shalt  }
0x7d: {  	_ =	shalt  }
0x7e: {  	_ =	shalt  }
0x7f: {  	_ =	shalt  }
0x80: {  	_ =	shalt  }
0x81: {  	_ =	shalt  }
0x82: {  	_ =	shalt  }
0x83: {  	_ =	shalt  }
0x84: {  	_ =	shalt  }
0x85: {  	_ =	shalt  }
0x86: {  	_ =	shalt  }
0x87: {  	_ =	shalt  }
.Lfunc_end0:
.L_simem_size_0:
called_computation_lowered:
.L_overlay_start_0:
0x88: {  	s2 =	sld [smem:$0x3FD9]  }
0x89: {  	s3 =	sld [smem:$0x3FFE];
	_ =	sdelay $0x1  }
0x8a: {  	s1 =	srdreg.scid  }
0x8b: {  	s0 =	sand.u32 $0x1, s1  }
0x8c: {  	s17 =	sshll.u32 s0, $0xA;
	s2 =	sadd.s32 s3, s2  }
0x8d: {  	s2 =	sadd.s32 s2, s17  }
0x8e: {  	[smem:$0x3FC6] =	sst s2  }
0x8f: {  	_ = 	snop  }
0x90: {  	s2 =	sld [smem:$0x3FC8]  }
0x91: {  	s18 =	sld [smem:$0x3FD0];
	(tm) =	ssettm $0x1  }
0x92: {  	s4 =	sld [smem:$0x3FFB];
	_ =	sdelay $0x3  }
0x93: {  	_ =	strace s4  }
0x94: {  	s4 =	sld [smem:$0x3FFC];
	_ =	sdelay $0x3  }
0x95: {  	_ =	strace s4  }
0x96: {  	s4 =	sld [smem:$0x3FFD];
	_ =	sdelay $0x3  }
0x97: {  	_ =	strace s4  }
0x98: {  	_ =	strace $0x8FFFFFFF  }
0x99: {  	s19 =	sld [smem:$0x3FDB];
	_ =	sdelay $0x1  }
0x9a: {  	s5 =	simm.s32 $_scs_section_size  }
0x9b: {  	s6 =	simm.s32 $_size__tile_overlayer_lowered;
	s7 =	simm.s32 $_tile_overlayer_lowered  }
0x9c: {  	s22 =	simm.s32 $0x1BFF;
	s21 =	sshll.u32 s7, $0x1;
	s4 =	sadd.s32 s5, s19  }
0x9d: {  	s8 =	simm.s32 $0x0;
	s20 =	sshll.u32 s6, $0x1;
	s6 =	sadd.s32 s21, s4  }
0x9e: {  	[timem:s8], [sflag:s22] =	dma.local [hbm:s6], s20  }
0x9f: {  	_ =	swait.ge [sflag:s22], s20  }
0xa0: {  	s5 =	ssub.s32 $0x0, s20;
	[sflag:s22] =	ssyncset.done $0x0  }
0xa1: {  	[sflag:s22] =	ssyncadd.s32 s5;
	_ =	sdelay $0x1  }
0xa2: {  	s23 =	simm.s32 $0x1B8B  }
0xa3: {  	_ =	swait.ge [sflag:s23], $0x1  }
0xa4: {  	[sflag:s23] =	ssyncset.done $0x0  }
0xa5: {  	s25 =	simm.s32 $0x1B8E;
	s24 =	sld [smem:$0x3FFE];
	[sflag:s23] =	ssyncadd.s32 $0xFFFFFFFF  }
0xa6: {  	s26 =	simm.s32 $execute0_lowered;
	[smem:$0x3FD2] =	sst s25  }
0xa7: {  	s6 =	sshll.u32 s26, $0x1;
	_ =	strace $0x80000046;
	[dreg:$0x1] =	wrdreg $0xFFFFFFFF  }
0xa8: {  	s28 =	simm.s32 $_size_execute0_lowered;
	s4 =	sadd.s32 s4, s6;
	[dreg:$0x0] =	wrdreg $0x0  }
0xa9: {  	s6 =	sshll.u32 s28, $0x1;
	[dreg:$0x2] =	wrdreg s4  }
0xaa: {  	[dreg:$0x3] =	wrdreg s6  }
0xab: {  	[dreg:$0x4] =	wrdreg $0xC0  }
0xac: {  	_ =	task [dreg:s8], $0x5FFFF  }
0xad: {  	[dreg:$0x1] =	wrdreg $0xFFFFFFFF  }
0xae: {  	[dreg:$0x0] =	wrdreg $0x60  }
0xaf: {  	[dreg:$0x2] =	wrdreg s2  }
0xb0: {  	[dreg:$0x3] =	wrdreg s24  }
0xb1: {  	[dreg:$0x4] =	wrdreg s18  }
0xb2: {  	[dreg:$0x5] =	wrdreg $0x9  }
0xb3: {  	_ =	task.clear_ibuf [dreg:s8], $0x6FFFF;
	_ =	strace $0x90000046  }
0xb4: {  	s29 =	simm.s32 $0x9;
	_ =	strace $0x80000048  }
0xb5: {  	_ =	swait.ge [sflag:s29], $0x1  }
0xb6: {  	[sflag:s29] =	ssyncadd.s32 $0xFFFFFFFF  }
0xb7: {  	_ =	strace $0x90000048  }
0xb8: {  	_ =	sfence  }
0xb9: {  	s30 =	sld [smem:$0x0];
	_ =	sdelay $0x2  }
0xba: {  	s31 =	sshll.u32 s1, $0xD;
	s1 =	sshrl.u32 s1, $0x2  }
0xbb: {  	s3 =	sand.u32 $0x4000, s31;
	s1 =	sadd.s32 s1, s30  }
0xbc: {  	s0 =	sor.u32 s3, s0;
	s1 =	sshll.u32 s1, $0x11  }
0xbd: {  	s0 =	sor.u32 s1, s0  }
0xbe: {  	s0 =	sadd.s32 $0x8F2B, s0  }
0xbf: {  	[sflag:s0] =	ssyncadd.remote.s32 $0x1  }
0xc0: {  	_ =	sfence.sel $0xFFFF  }
0xc1: {  	[dreg:$0x0] =	wrdreg $0xFFFFFFFF;
	(pc) =	sbr.abs _section_cstart, $3  }
0xc2: {  	[dreg:$0x1] =	wrdreg $0xFFFFFFFF  }
0xc3: {  	_ =	task.clear_ibuf [dreg:s8], $0x2FFFF;
	_ =	strace $0x9FFFFFFF  }
0xc4: {  	(tm) =	ssettm $0x7FFFFFFF  }
0xc5: {  	_ =	shalt  }
tec
execute0_lowered:
.L_overlay_start_1:
0x0: {  	(tag) =	ssettag $0x1  }
0x1: {  	s1 =	rddreg [dreg:$0x0]  }
0x2: {  	s5 =	rddreg [dreg:$0x1];
	s2 =	srdreg.scid  }
0x3: {  	s0 =	stileid.u32;
	s3 =	rddreg [dreg:$0x2];
	s4 =	simm.s32 $0x0  }
0x4: {  	s10 =	simm.s32 $0x80;
	s11 =	simm.s32 $0xE400;
	s12 =	simm.s32 $0x12400  }
0x5: {  	s13 =	simm.s32 $0x1;
	s14 =	simm.s32 $0x2;
	s15 =	simm.s32 $0x6400  }
0x6: {  	s16 =	simm.s32 $0x3;
	s6 =	sand.u32 $0x1, s2;
	s7 =	sshll.u32 s0, $0x1  }
0x7: {  	s17 =	simm.s32 $0x4;
	s18 =	simm.s32 $0x5;
	s7 =	sor.u32 s6, s7  }
0x8: {  	s19 =	simm.s32 $0x6;
	s2 =	rddreg [dreg:$0x3];
	s8 =	smul.u32 $0xC80, s7  }
0x9: {  	s20 =	simm.s32 $0x0;
	[smem:$0x7FF] =	sst s4;
	s6 =	ssub.s32 $0x2, s6  }
0xa: {  	s9 =	sshrl.u32 s6, $0x1;
	s8 =	sadd.s32 s8, s5;
	s5 =	smul.u32 $0x6400, s7  }
0xb: {  	_ =	strace $0x80000047;
	s9 =	ssub.s32 s6, s9;
	s7 =	smul.u32 $0x320000, s7  }
0xc: {  	s6 =	sadd.s32 $0x400, s8;
	s8 =	smax.u32 s9, $0x1;
	s9 =	simm.s32 $0x7  }
.LBB2_1:
0xd: {  	[tilespmem:s4], [sflag:$0x7] =	stream.linear.gather [hbm4b:s6+s4], $0x6400, $0x38;
	[tilespmem:$0x16400] =	vst v63  }
0xe: {  	_ =	swait.ge [sflag:s9], $0x6400  }
0xf: {  	[sflag:s9] =	ssyncset.done $0x0  }
0x10: {  	s21 =	simm.s32 $0x0;
	[sflag:s9] =	ssyncadd.s32 $0xFFFF9C00  }
.LBB2_2:
0x11: {  	p0 =	seq.s32 s21, $0x0  }
0x12: {  	s22 =	simm.s32 @p0 $0x80;
	s23 =	simm.s32 @p0 $0x0;
	s24 =	simm.s32 @p0 $0x6400  }
0x13: {  	[tilespmem:s24], [sflag:$0x1] =	stream.indirect.gather @p0 [hbm4b:s1+s22], $0x80, s23, s22, $0xb8;
	[tilespmem:$0x16400] =	vst v63  }
0x14: {  	s23 =	simm.s32 @p0 $0xA400  }
0x15: {  	[tilespmem:s23], [sflag:$0x2] =	stream.indirect.gather @p0 [hbm4b:s1+s22], $0x80, s22, s22, $0xb8;
	[tilespmem:$0x16400] =	vst v63  }
0x16: {  	s22 =	simm.s32 @!p0 $0x5  }
0x17: {  	_ =	swait.ge @!p0 [sflag:s22], $0x8000  }
0x18: {  	s25 =	simm.s32 @!p0 $0x6400;
	s23 =	sshll.u32 @!p0 s21, $0xB;
	[sflag:s22] =	ssyncset.done @!p0 $0x0  }
0x19: {  	s24 =	simm.s32 @!p0 $0x80;
	[sflag:s22] =	ssyncadd.s32 @!p0 $0xFFFF8000;
	s22 =	sshrl.u32 @!p0 s23, $0x2  }
0x1a: {  	[tilespmem:s25], [sflag:$0x1] =	stream.indirect.gather @!p0 [hbm4b:s1+s24], $0x80, s22, s24, $0xb8;
	[tilespmem:$0x16400] =	vst v63  }
0x1b: {  	s22 =	sor.u32 @!p0 $0x80, s22;
	s25 =	simm.s32 @!p0 $0xA400  }
0x1c: {  	[tilespmem:s25], [sflag:$0x2] =	stream.indirect.gather @!p0 [hbm4b:s1+s24], $0x80, s22, s24, $0xb8;
	[tilespmem:$0x16400] =	vst v63  }
0x1d: {  	s22 =	simm.s32 @!p0 $0x6  }
0x1e: {  	_ =	swait.ge @!p0 [sflag:s22], $0x8000  }
0x1f: {  	s31 =	sshll.u32 s21, $0x9;
	s23 =	simm.s32 @p0 $0x0;
	[sflag:s22] =	ssyncset.done @!p0 $0x0  }
0x20: {  	s23 =	sshrl.u32 s23, $0x2;
	[sflag:s22] =	ssyncadd.s32 @!p0 $0xFFFF8000;
	s22 =	sor.u32 $0x100, s31  }
0x21: {  	[tilespmem:s11], [sflag:$0x3] =	stream.indirect.gather [hbm4b:s1+s10], $0x80, s22, s10, $0xb8;
	[tilespmem:$0x16400] =	vst v63  }
0x22: {  	s23 =	sadd.s32 $0x180, s23  }
0x23: {  	[tilespmem:s12], [sflag:$0x4] =	stream.indirect.gather [hbm4b:s1+s10], $0x80, s23, s10, $0xb8;
	[tilespmem:$0x16400] =	vst v63  }
0x24: {  	_ =	swait.ge [sflag:s13], $0x4000  }
0x25: {  	[sflag:s13] =	ssyncset.done $0x0  }
0x26: {  	[sflag:s13] =	ssyncadd.s32 $0xFFFFC000  }
0x27: {  	_ =	swait.ge [sflag:s14], $0x4000  }
0x28: {  	[sflag:s14] =	ssyncset.done $0x0  }
0x29: {  	s23 =	simm.s32 $0x0;
	[sflag:s14] =	ssyncadd.s32 $0xFFFFC000  }
0x2a: {  	v3 =	vld [tilespmem:s23+$0x6400]  }
0x2b: {  	v5 =	vld [tilespmem:s23+$0x6410]  }
0x2c: {  	v4 =	vld [tilespmem:s23+$0x6420]  }
0x2d: {  	v2 =	vld [tilespmem:s23+$0x6430]  }
0x2e: {  	v0 =	vld [tilespmem:s23+$0x6440]  }
0x2f: {  	v1 =	vld [tilespmem:s23+$0x6450];
	v6 =	vmul.f32 $1.131370830e+01, v3  }
0x30: {  	s24 =	simm.s32 $0x200;
	v5 =	vmul.f32 $1.131370830e+01, v5;
	v3 =	vld [tilespmem:s23+$0x6460]  }
.LBB2_3:
0x31: {  	s25 =	sshra.s32 s24, $0x2;
	p0 =	sne.s32 s24, $0x1FE00;
	[tilespmem:s23+$0x6400] =	vst v6;
	v4 =	vmul.f32 $1.131370830e+01, v4;
	v6 =	vld [tilespmem:s23+$0x6470]  }
0x32: {  	v7 =	vld [tilespmem:s25+$0x6400];
	[tilespmem:s23+$0x6410] =	vst v5;
	v2 =	vmul.f32 $1.131370830e+01, v2  }
0x33: {  	v5 =	vld [tilespmem:s25+$0x6410];
	[tilespmem:s23+$0x6420] =	vst v4;
	v0 =	vmul.f32 $1.131370830e+01, v0  }
.Ltmp0:
0x34: {  	v4 =	vld [tilespmem:s25+$0x6420];
	[tilespmem:s23+$0x6430] =	vst v2;
	v1 =	vmul.f32 $1.131370830e+01, v1;
	(pc) =	sbr.rel @p0 .LBB2_3-.Ltmp0, $4  }
0x35: {  	v2 =	vld [tilespmem:s25+$0x6430];
	[tilespmem:s23+$0x6440] =	vst v0;
	v3 =	vmul.f32 $1.131370830e+01, v3  }
0x36: {  	v0 =	vld [tilespmem:s25+$0x6440];
	[tilespmem:s23+$0x6450] =	vst v1;
	v8 =	vmul.f32 $1.131370830e+01, v6  }
0x37: {  	v6 =	vmul.f32 $1.131370830e+01, v7;
	v1 =	vld [tilespmem:s25+$0x6450];
	[tilespmem:s23+$0x6460] =	vst v3  }
0x38: {  	s24 =	sadd.s32 $0x200, s24;
	v5 =	vmul.f32 $1.131370830e+01, v5;
	v3 =	vld [tilespmem:s25+$0x6460];
	[tilespmem:s23+$0x6470] =	vst v8;
	s23 =	smov.u32 s25  }
0x39: {  	[tilespmem:s23+$0x6400] =	vst v6;
	v4 =	vmul.f32 $1.131370830e+01, v4;
	v6 =	vld [tilespmem:s23+$0x6470]  }
0x3a: {  	[tilespmem:s23+$0x6410] =	vst v5;
	v2 =	vmul.f32 $1.131370830e+01, v2  }
0x3b: {  	[tilespmem:s23+$0x6420] =	vst v4;
	v0 =	vmul.f32 $1.131370830e+01, v0  }
0x3c: {  	[tilespmem:s23+$0x6430] =	vst v2;
	v1 =	vmul.f32 $1.131370830e+01, v1  }
0x3d: {  	s24 =	sshll.u32 s21, $0x10;
	[tilespmem:s23+$0x6440] =	vst v0;
	v0 =	vmul.f32 $1.131370830e+01, v3  }
0x3e: {  	s24 =	sadd.s32 s7, s24;
	[tilespmem:s23+$0x6450] =	vst v1;
	v1 =	vmul.f32 $1.131370830e+01, v6  }
0x3f: {  	s24 =	sshrl.u32 s24, $0x3;
	[tilespmem:s23+$0x6460] =	vst v0  }
0x40: {  	s31 =	simm.s32 $0x0;
	s30 =	sadd.s32 s3, s24;
	[tilespmem:s23+$0x6470] =	vst v1  }
0x41: {  	[hbm4b:s30+s31] =	stream.linear.scatter [tilespmem:s15], [sflag:$0x5], $0x8000, $0x38;
	[tilespmem:$0x16400] =	vst v63  }
0x42: {  	_ =	swait.ge [sflag:s16], $0x4000  }
0x43: {  	[sflag:s16] =	ssyncset.done $0x0  }
0x44: {  	[sflag:s16] =	ssyncadd.s32 $0xFFFFC000  }
0x45: {  	_ =	swait.ge [sflag:s17], $0x4000  }
0x46: {  	[sflag:s17] =	ssyncset.done $0x0  }
0x47: {  	s23 =	simm.s32 $0x0;
	[sflag:s17] =	ssyncadd.s32 $0xFFFFC000  }
0x48: {  	v3 =	vld [tilespmem:s23+$0xE400]  }
0x49: {  	v5 =	vld [tilespmem:s23+$0xE410]  }
0x4a: {  	v4 =	vld [tilespmem:s23+$0xE420]  }
0x4b: {  	v2 =	vld [tilespmem:s23+$0xE430]  }
0x4c: {  	v0 =	vld [tilespmem:s23+$0xE440]  }
0x4d: {  	v1 =	vld [tilespmem:s23+$0xE450];
	v6 =	vmul.f32 $1.131370830e+01, v3  }
0x4e: {  	s24 =	simm.s32 $0x200;
	v5 =	vmul.f32 $1.131370830e+01, v5;
	v3 =	vld [tilespmem:s23+$0xE460]  }
.LBB2_5:
0x4f: {  	s25 =	sshra.s32 s24, $0x2;
	p0 =	sne.s32 s24, $0x1FE00;
	[tilespmem:s23+$0xE400] =	vst v6;
	v4 =	vmul.f32 $1.131370830e+01, v4;
	v6 =	vld [tilespmem:s23+$0xE470]  }
0x50: {  	v7 =	vld [tilespmem:s25+$0xE400];
	[tilespmem:s23+$0xE410] =	vst v5;
	v2 =	vmul.f32 $1.131370830e+01, v2  }
0x51: {  	v5 =	vld [tilespmem:s25+$0xE410];
	[tilespmem:s23+$0xE420] =	vst v4;
	v0 =	vmul.f32 $1.131370830e+01, v0  }
.Ltmp1:
0x52: {  	v4 =	vld [tilespmem:s25+$0xE420];
	[tilespmem:s23+$0xE430] =	vst v2;
	v1 =	vmul.f32 $1.131370830e+01, v1;
	(pc) =	sbr.rel @p0 .LBB2_5-.Ltmp1, $4  }
0x53: {  	v2 =	vld [tilespmem:s25+$0xE430];
	[tilespmem:s23+$0xE440] =	vst v0;
	v3 =	vmul.f32 $1.131370830e+01, v3  }
0x54: {  	v0 =	vld [tilespmem:s25+$0xE440];
	[tilespmem:s23+$0xE450] =	vst v1;
	v8 =	vmul.f32 $1.131370830e+01, v6  }
0x55: {  	v6 =	vmul.f32 $1.131370830e+01, v7;
	v1 =	vld [tilespmem:s25+$0xE450];
	[tilespmem:s23+$0xE460] =	vst v3  }
0x56: {  	s24 =	sadd.s32 $0x200, s24;
	v5 =	vmul.f32 $1.131370830e+01, v5;
	v3 =	vld [tilespmem:s25+$0xE460];
	[tilespmem:s23+$0xE470] =	vst v8;
	s23 =	smov.u32 s25  }
0x57: {  	[tilespmem:s23+$0xE400] =	vst v6;
	v4 =	vmul.f32 $1.131370830e+01, v4;
	v61 =	vld [tilespmem:s23+$0xE470]  }
0x58: {  	[tilespmem:s23+$0xE410] =	vst v5;
	v2 =	vmul.f32 $1.131370830e+01, v2  }
0x59: {  	s21 =	sadd.s32 $0x1, s21;
	[tilespmem:s23+$0xE420] =	vst v4;
	v0 =	vmul.f32 $1.131370830e+01, v0  }
0x5a: {  	p0 =	sne.s32 s21, $0x32;
	[tilespmem:s23+$0xE430] =	vst v2;
	v1 =	vmul.f32 $1.131370830e+01, v1  }
.Ltmp2:
0x5b: {  	[tilespmem:s23+$0xE440] =	vst v0;
	v62 =	vmul.f32 $1.131370830e+01, v3;
	(pc) =	sbr.rel @p0 .LBB2_2-.Ltmp2, $4  }
0x5c: {  	s22 =	sadd.s32 s5, s22;
	[tilespmem:s23+$0xE450] =	vst v1;
	v63 =	vmul.f32 $1.131370830e+01, v61  }
0x5d: {  	s22 =	sshll.u32 s22, $0x4;
	[tilespmem:s23+$0xE460] =	vst v62  }
0x5e: {  	s22 =	sadd.s32 s3, s22;
	[tilespmem:s23+$0xE470] =	vst v63  }
0x5f: {  	[hbm4b:s22+s4] =	stream.linear.scatter [tilespmem:s11], [sflag:$0x6], $0x8000, $0x38;
	[tilespmem:$0x16400] =	vst v63  }
0x60: {  	s20 =	sadd.s32 $0x1, s20  }
0x61: {  	_ =	swait.ge [sflag:s18], $0x8000;
	p0 =	sne.s32 s20, s8  }
.Ltmp3:
0x62: {  	[sflag:s18] =	ssyncset.done $0x0;
	(pc) =	sbr.rel @p0 .LBB2_1-.Ltmp3, $4  }
0x63: {  	[sflag:s18] =	ssyncadd.s32 $0xFFFF8000  }
0x64: {  	_ =	swait.ge [sflag:s19], $0x8000  }
0x65: {  	[sflag:s19] =	ssyncset.done $0x0  }
0x66: {  	[sflag:s19] =	ssyncadd.s32 $0xFFFF8000  }
0x67: {  	_ =	sfence.sel $0x180000  }
0x68: {  	[bflag:$0x0] =	sbarrier.arrive $0xFFFF  }
0x69: {  	p0 =	sne.s32 s0, $0x0;
	_ =	strace $0x90000047  }
0x6a: {  	s0 =	sadd.s32 @!p0 $0x100000, s2;
	[bflag:$0x2] =	sbarrier.arrive $0xFFFF  }
0x6b: {  	[sflag:s0] =	ssyncadd.tile.s32 @!p0 $0x1;
	_ =	shalt  }
.Lfunc_end2:
_tile_overlayer_lowered:
.L_overlay_start_2:
0x6c: {  	(tag) =	ssettag $0x2  }
0x6d: {  	s0 =	rddreg [dreg:$0x0];
	s2 =	stileid.u32  }
0x6e: {  	s1 =	rddreg [dreg:$0x1];
	p0 =	sne.s32 s2, $0x0  }
0x6f: {  	s3 =	rddreg [dreg:$0x2];
	[bflag:$0x3] =	sbarrier.arrive $0xFFFF;
	s2 =	simm.s32 @!p0 $0x1C07  }
0x70: {  	[timem:s3], [sflag:s2] =	dma.local @!p0 [hbm:s0], s1  }
0x71: {  	s0 =	simm.s32 @!p0 $0x7  }
0x72: {  	_ =	swait.ge @!p0 [sflag:s0], s1  }
0x73: {  	s1 =	ssub.s32 @!p0 $0x0, s1;
	[sflag:s0] =	ssyncset.done @!p0 $0x0  }
0x74: {  	[sflag:s0] =	ssyncadd.s32 @!p0 s1  }
0x75: {  	[bflag:$0x3] =	sbarrier.arrive $0xFFFF  }
0x76: {  	_ =	shalt  }

</sc_bundles>
